<compile_context>
chip_gen: v7x
topology: tpu7x:2x2x1
jax: 0.10.2.dev20260603
libtpu: 0.0.44.dev20260713+nightly
codegen_flags: <defaults>
</compile_context>

<pallas_src>
import functools

import jax
import jax.numpy as jnp
from jax import lax
from jax.experimental import pallas as pl
from jax.experimental.pallas import tpu as pltpu
from jax.experimental.pallas import tpu_sc as plsc

_NC = 2
_NS = 16
_NW = _NC * _NS
_NBUF = 6
_SKEW = 3


@functools.lru_cache(maxsize=None)
def _make_gather(N, F, D):
    bpw = N // _NW
    n_chunks = F
    n_passes = -(-n_chunks // _NBUF)
    mesh = plsc.VectorSubcoreMesh(
        core_axis_name="c", subcore_axis_name="s",
        num_cores=_NC, num_subcores=_NS)

    @functools.partial(
        pl.kernel,
        out_type=jax.ShapeDtypeStruct((N * F, D), jnp.float32),
        mesh=mesh,
        compiler_params=pltpu.CompilerParams(
            disable_bounds_checks=True, skip_device_barrier=True),
        scratch_types=[
            pltpu.VMEM((F, bpw), jnp.int32),
            [pltpu.VMEM((bpw, D), jnp.float32)] * _NBUF,
            [pltpu.SemaphoreType.DMA] * _NBUF,
            [pltpu.SemaphoreType.DMA] * _NBUF,
        ],
    )
    def gather_kernel(table_hbm, idx_hbm, out_hbm, idx_v, bufs,
                      gsems, wsems):
        wid = lax.axis_index("s") * _NC + lax.axis_index("c")
        b0 = wid * bpw
        pltpu.sync_copy(idx_hbm.at[:, pl.ds(b0, bpw)], idx_v)

        def start_gather(c, b):
            pltpu.async_copy(table_hbm.at[idx_v.at[c]], bufs[b], gsems[b])

        def wait_gather(b):
            pltpu.make_async_copy(
                table_hbm.at[idx_v.at[0]], bufs[b], gsems[b]).wait()

        def out_slice(c):
            return out_hbm.at[pl.ds(c * N + b0, bpw)]

        def start_write(c, b):
            pltpu.async_copy(bufs[b], out_slice(c), wsems[b])

        def wait_write(b):
            pltpu.make_async_copy(bufs[b], out_slice(0), wsems[b]).wait()

        for b in range(_NBUF):
            start_gather(b, b)

        def chunk_step(c, b):
            r = c - _SKEW
            rb = (b - _SKEW) % _NBUF

            @pl.when(jnp.logical_and(r >= 0, r + _NBUF < n_chunks))
            def _():
                wait_write(rb)
                start_gather(r + _NBUF, rb)

            @pl.when(c < n_chunks)
            def _():
                wait_gather(b)
                start_write(c, b)

        def loop_body(p, carry):
            for b in range(_NBUF):
                chunk_step(p * _NBUF + b, b)
            return carry

        lax.fori_loop(0, n_passes, loop_body, 0)
        for b in range(_NBUF):
            wait_write(b)

    return gather_kernel


def kernel(table, indices):
    N, F = indices.shape
    D = table.shape[1]
    out = _make_gather(N, F, D)(table, indices.T)
    return out.reshape(F, N, D).transpose(1, 0, 2)

# --- scband reference (transcript-rebuilt; emitter-appended) ---
"""Pipeline reference for scband-embedding-18975165514570 (READ-ONLY COPY).

The authoritative reference and input builder live on the scoring server;
editing this copy changes nothing except your own understanding.
"""

import jax, jax.numpy as jnp
import numpy as np

VOCAB_SIZE = 100000
EMBED_DIM = 128
BATCH = 4096
N_FIELDS = 26


def setup_inputs(seed: int = 0) -> dict:
    key = jax.random.key(seed)
    k_idx, k_tab = jax.random.split(key)
    indices = jax.random.randint(k_idx, (BATCH, N_FIELDS), 0, VOCAB_SIZE, dtype=jnp.int32)
    table = jax.random.normal(k_tab, (VOCAB_SIZE, EMBED_DIM), dtype=jnp.float32)
    return {"table": table, "indices": indices}


def reference(table, indices):
    # torch.nn.Embedding forward: row gather from the embedding table
    return jnp.take(table, indices, axis=0)

if __name__ == "__main__":
    import jax
    _d = setup_inputs()
    print(jax.jit(kernel)(*tuple(_d.values())))

</pallas_src>

<mosaic_0001>
#map = affine_map<(d0, d1) -> (0, 0)>
module attributes {stable_mosaic.version = 14 : i64} {
  func.func @gather_kernel(%arg0: i32, %arg1: i32, %arg2: memref<100000x128xf32, #tpu.memory_space<hbm>>, %arg3: memref<26x4096xi32, #tpu.memory_space<hbm>>, %arg4: memref<106496x128xf32, #tpu.memory_space<hbm>>, %arg5: memref<26x128xi32, #tpu.memory_space<vmem>>, %arg6: memref<128x128xf32, #tpu.memory_space<vmem>>, %arg7: memref<128x128xf32, #tpu.memory_space<vmem>>, %arg8: memref<128x128xf32, #tpu.memory_space<vmem>>, %arg9: memref<128x128xf32, #tpu.memory_space<vmem>>, %arg10: memref<128x128xf32, #tpu.memory_space<vmem>>, %arg11: memref<128x128xf32, #tpu.memory_space<vmem>>, %arg12: memref<!tpu.dma_semaphore, #tpu.memory_space<semaphore_mem>>, %arg13: memref<!tpu.dma_semaphore, #tpu.memory_space<semaphore_mem>>, %arg14: memref<!tpu.dma_semaphore, #tpu.memory_space<semaphore_mem>>, %arg15: memref<!tpu.dma_semaphore, #tpu.memory_space<semaphore_mem>>, %arg16: memref<!tpu.dma_semaphore, #tpu.memory_space<semaphore_mem>>, %arg17: memref<!tpu.dma_semaphore, #tpu.memory_space<semaphore_mem>>, %arg18: memref<!tpu.dma_semaphore, #tpu.memory_space<semaphore_mem>>, %arg19: memref<!tpu.dma_semaphore, #tpu.memory_space<semaphore_mem>>, %arg20: memref<!tpu.dma_semaphore, #tpu.memory_space<semaphore_mem>>, %arg21: memref<!tpu.dma_semaphore, #tpu.memory_space<semaphore_mem>>, %arg22: memref<!tpu.dma_semaphore, #tpu.memory_space<semaphore_mem>>, %arg23: memref<!tpu.dma_semaphore, #tpu.memory_space<semaphore_mem>>) attributes {dimension_semantics = [#tpu.dimension_semantics<core_parallel>, #tpu.dimension_semantics<subcore_parallel>], iteration_bounds = array<i64: 2, 16>, scalar_prefetch = 0 : i64, scratch_operands = 19 : i64, tpu.core_type = #tpu.core_type<sc_vector_subcore>, window_params = [{transform_indices = #map}, {transform_indices = #map}, {transform_indices = #map}]} {
    %mul3A = arith.constant 2 : i32
    %mul3A_0 = arith.muli %arg1, %mul3A : i32
    %add3A = arith.addi %mul3A_0, %arg0 : i32
    %mul3A_1 = arith.constant 128 : i32
    %mul3A_2 = arith.muli %add3A, %mul3A_1 : i32
    "tpu.region"() ({
      %run_scoped3A = tpu.sem_alloc : memref<!tpu.dma_semaphore, #tpu.memory_space<semaphore_mem>>
      %dma_start3A_84 = arith.constant 0 : i32
      %dma_start3A_85 = tpu.memref_slice %arg3[%dma_start3A_84, %mul3A_2] : memref<26x4096xi32, #tpu.memory_space<hbm>> -> memref<26x128xi32, #tpu.memory_space<hbm>>
      %dma_start3A_86 = arith.constant 0 : i32
      %dma_start3A_87 = tpu.memref_slice %arg3[%dma_start3A_86, %mul3A_2] : memref<26x4096xi32, #tpu.memory_space<hbm>> -> memref<26x128xi32, #tpu.memory_space<hbm>>
      tpu.enqueue_dma source(%dma_start3A_87 : memref<26x128xi32, #tpu.memory_space<hbm>>) target(%arg5 : memref<26x128xi32, #tpu.memory_space<vmem>>) target_semaphore(%run_scoped3A : memref<!tpu.dma_semaphore, #tpu.memory_space<semaphore_mem>>)
      %dma_wait3A_88 = arith.constant 0 : i32
      %dma_wait3A_89 = tpu.memref_slice %arg3[%dma_wait3A_88, %mul3A_2] : memref<26x4096xi32, #tpu.memory_space<hbm>> -> memref<26x128xi32, #tpu.memory_space<hbm>>
      %dma_wait3A_90 = arith.constant 0 : i32
      %dma_wait3A_91 = tpu.memref_slice %arg3[%dma_wait3A_90, %mul3A_2] : memref<26x4096xi32, #tpu.memory_space<hbm>> -> memref<26x128xi32, #tpu.memory_space<hbm>>
      tpu.wait_dma2 semaphore(%run_scoped3A : memref<!tpu.dma_semaphore, #tpu.memory_space<semaphore_mem>>) src(%dma_wait3A_91 : memref<26x128xi32, #tpu.memory_space<hbm>>) dst(%arg5 : memref<26x128xi32, #tpu.memory_space<vmem>>)
      tpu.yield
    }) : () -> ()
    %dma_start3A = arith.constant 0 : i32
    %dma_start3A_3 = arith.constant 0 : i32
    %dma_start3A_4 = tpu.memref_slice %arg5[%dma_start3A, %dma_start3A_3] : memref<26x128xi32, #tpu.memory_space<vmem>> -> memref<1x128xi32, #tpu.memory_space<vmem>>
    %dma_start3A_5 = tpu.memref_squeeze %dma_start3A_4 : memref<1x128xi32, #tpu.memory_space<vmem>> -> memref<128xi32, #tpu.memory_space<vmem>>
    %dma_start3A_6 = arith.constant 0 : i32
    %dma_start3A_7 = arith.constant 0 : i32
    %dma_start3A_8 = tpu.memref_slice %arg2[%dma_start3A_6, %dma_start3A_7] : memref<100000x128xf32, #tpu.memory_space<hbm>> -> memref<100000x128xf32, #tpu.memory_space<hbm>>
    tpu.enqueue_indirect_dma source(%dma_start3A_8 : memref<100000x128xf32, #tpu.memory_space<hbm>>) target(%arg6 : memref<128x128xf32, #tpu.memory_space<vmem>>) offsets(%dma_start3A_5 : memref<128xi32, #tpu.memory_space<vmem>>) semaphore(%arg12 : memref<!tpu.dma_semaphore, #tpu.memory_space<semaphore_mem>>)
    %dma_start3A_9 = arith.constant 1 : i32
    %dma_start3A_10 = arith.constant 0 : i32
    %dma_start3A_11 = tpu.memref_slice %arg5[%dma_start3A_9, %dma_start3A_10] : memref<26x128xi32, #tpu.memory_space<vmem>> -> memref<1x128xi32, #tpu.memory_space<vmem>>
    %dma_start3A_12 = tpu.memref_squeeze %dma_start3A_11 : memref<1x128xi32, #tpu.memory_space<vmem>> -> memref<128xi32, #tpu.memory_space<vmem>>
    %dma_start3A_13 = arith.constant 0 : i32
    %dma_start3A_14 = arith.constant 0 : i32
    %dma_start3A_15 = tpu.memref_slice %arg2[%dma_start3A_13, %dma_start3A_14] : memref<100000x128xf32, #tpu.memory_space<hbm>> -> memref<100000x128xf32, #tpu.memory_space<hbm>>
    tpu.enqueue_indirect_dma source(%dma_start3A_15 : memref<100000x128xf32, #tpu.memory_space<hbm>>) target(%arg7 : memref<128x128xf32, #tpu.memory_space<vmem>>) offsets(%dma_start3A_12 : memref<128xi32, #tpu.memory_space<vmem>>) semaphore(%arg13 : memref<!tpu.dma_semaphore, #tpu.memory_space<semaphore_mem>>)
    %dma_start3A_16 = arith.constant 2 : i32
    %dma_start3A_17 = arith.constant 0 : i32
    %dma_start3A_18 = tpu.memref_slice %arg5[%dma_start3A_16, %dma_start3A_17] : memref<26x128xi32, #tpu.memory_space<vmem>> -> memref<1x128xi32, #tpu.memory_space<vmem>>
    %dma_start3A_19 = tpu.memref_squeeze %dma_start3A_18 : memref<1x128xi32, #tpu.memory_space<vmem>> -> memref<128xi32, #tpu.memory_space<vmem>>
    %dma_start3A_20 = arith.constant 0 : i32
    %dma_start3A_21 = arith.constant 0 : i32
    %dma_start3A_22 = tpu.memref_slice %arg2[%dma_start3A_20, %dma_start3A_21] : memref<100000x128xf32, #tpu.memory_space<hbm>> -> memref<100000x128xf32, #tpu.memory_space<hbm>>
    tpu.enqueue_indirect_dma source(%dma_start3A_22 : memref<100000x128xf32, #tpu.memory_space<hbm>>) target(%arg8 : memref<128x128xf32, #tpu.memory_space<vmem>>) offsets(%dma_start3A_19 : memref<128xi32, #tpu.memory_space<vmem>>) semaphore(%arg14 : memref<!tpu.dma_semaphore, #tpu.memory_space<semaphore_mem>>)
    %dma_start3A_23 = arith.constant 3 : i32
    %dma_start3A_24 = arith.constant 0 : i32
    %dma_start3A_25 = tpu.memref_slice %arg5[%dma_start3A_23, %dma_start3A_24] : memref<26x128xi32, #tpu.memory_space<vmem>> -> memref<1x128xi32, #tpu.memory_space<vmem>>
    %dma_start3A_26 = tpu.memref_squeeze %dma_start3A_25 : memref<1x128xi32, #tpu.memory_space<vmem>> -> memref<128xi32, #tpu.memory_space<vmem>>
    %dma_start3A_27 = arith.constant 0 : i32
    %dma_start3A_28 = arith.constant 0 : i32
    %dma_start3A_29 = tpu.memref_slice %arg2[%dma_start3A_27, %dma_start3A_28] : memref<100000x128xf32, #tpu.memory_space<hbm>> -> memref<100000x128xf32, #tpu.memory_space<hbm>>
    tpu.enqueue_indirect_dma source(%dma_start3A_29 : memref<100000x128xf32, #tpu.memory_space<hbm>>) target(%arg9 : memref<128x128xf32, #tpu.memory_space<vmem>>) offsets(%dma_start3A_26 : memref<128xi32, #tpu.memory_space<vmem>>) semaphore(%arg15 : memref<!tpu.dma_semaphore, #tpu.memory_space<semaphore_mem>>)
    %dma_start3A_30 = arith.constant 4 : i32
    %dma_start3A_31 = arith.constant 0 : i32
    %dma_start3A_32 = tpu.memref_slice %arg5[%dma_start3A_30, %dma_start3A_31] : memref<26x128xi32, #tpu.memory_space<vmem>> -> memref<1x128xi32, #tpu.memory_space<vmem>>
    %dma_start3A_33 = tpu.memref_squeeze %dma_start3A_32 : memref<1x128xi32, #tpu.memory_space<vmem>> -> memref<128xi32, #tpu.memory_space<vmem>>
    %dma_start3A_34 = arith.constant 0 : i32
    %dma_start3A_35 = arith.constant 0 : i32
    %dma_start3A_36 = tpu.memref_slice %arg2[%dma_start3A_34, %dma_start3A_35] : memref<100000x128xf32, #tpu.memory_space<hbm>> -> memref<100000x128xf32, #tpu.memory_space<hbm>>
    tpu.enqueue_indirect_dma source(%dma_start3A_36 : memref<100000x128xf32, #tpu.memory_space<hbm>>) target(%arg10 : memref<128x128xf32, #tpu.memory_space<vmem>>) offsets(%dma_start3A_33 : memref<128xi32, #tpu.memory_space<vmem>>) semaphore(%arg16 : memref<!tpu.dma_semaphore, #tpu.memory_space<semaphore_mem>>)
    %dma_start3A_37 = arith.constant 5 : i32
    %dma_start3A_38 = arith.constant 0 : i32
    %dma_start3A_39 = tpu.memref_slice %arg5[%dma_start3A_37, %dma_start3A_38] : memref<26x128xi32, #tpu.memory_space<vmem>> -> memref<1x128xi32, #tpu.memory_space<vmem>>
    %dma_start3A_40 = tpu.memref_squeeze %dma_start3A_39 : memref<1x128xi32, #tpu.memory_space<vmem>> -> memref<128xi32, #tpu.memory_space<vmem>>
    %dma_start3A_41 = arith.constant 0 : i32
    %dma_start3A_42 = arith.constant 0 : i32
    %dma_start3A_43 = tpu.memref_slice %arg2[%dma_start3A_41, %dma_start3A_42] : memref<100000x128xf32, #tpu.memory_space<hbm>> -> memref<100000x128xf32, #tpu.memory_space<hbm>>
    tpu.enqueue_indirect_dma source(%dma_start3A_43 : memref<100000x128xf32, #tpu.memory_space<hbm>>) target(%arg11 : memref<128x128xf32, #tpu.memory_space<vmem>>) offsets(%dma_start3A_40 : memref<128xi32, #tpu.memory_space<vmem>>) semaphore(%arg17 : memref<!tpu.dma_semaphore, #tpu.memory_space<semaphore_mem>>)
    %scan3A = arith.constant 0 : i32
    %scan3A_44 = arith.constant 0 : i32
    %scan3A_45 = arith.constant 5 : i32
    %scan3A_46 = arith.addi %scan3A_44, %scan3A_45 : i32
    %scan3A_47 = arith.constant 1 : i32
    scf.for %scan3A_84 = %scan3A_44 to %scan3A_46 step %scan3A_47  : i32 {
      %mul3A_85 = arith.constant 6 : i32
      %mul3A_86 = arith.muli %scan3A_84, %mul3A_85 : i32
      %add3A_87 = arith.constant 0 : i32
      %add3A_88 = arith.addi %mul3A_86, %add3A_87 : i32
      %sub3A = arith.constant 3 : i32
      %sub3A_89 = arith.subi %add3A_88, %sub3A : i32
      %ge3A = arith.constant 0 : i32
      %ge3A_90 = arith.cmpi sge, %sub3A_89, %ge3A : i32
      %add3A_91 = arith.constant 6 : i32
      %add3A_92 = arith.addi %sub3A_89, %add3A_91 : i32
      %lt3A = arith.constant 26 : i32
      %lt3A_93 = arith.cmpi slt, %add3A_92, %lt3A : i32
      %and3A = arith.andi %ge3A_90, %lt3A_93 : i1
      %convert_element_type3A = arith.extui %and3A : i1 to i32
      %cond3A = arith.constant 0 : i32
      %cond3A_94 = arith.cmpi ne, %convert_element_type3A, %cond3A : i32
      scf.if %cond3A_94 {
        %add3A_205 = arith.constant 0 : i32
        %add3A_206 = arith.addi %add3A_205, %mul3A_2 : i32
        %dma_wait3A_207 = arith.constant 0 : i32
        %dma_wait3A_208 = tpu.memref_slice %arg4[%add3A_206, %dma_wait3A_207] : memref<106496x128xf32, #tpu.memory_space<hbm>> -> memref<128x128xf32, #tpu.memory_space<hbm>>
        %dma_wait3A_209 = arith.constant 0 : i32
        %dma_wait3A_210 = tpu.memref_slice %arg4[%add3A_206, %dma_wait3A_209] : memref<106496x128xf32, #tpu.memory_space<hbm>> -> memref<128x128xf32, #tpu.memory_space<hbm>>
        tpu.wait_dma2 semaphore(%arg21 : memref<!tpu.dma_semaphore, #tpu.memory_space<semaphore_mem>>) src(%arg9 : memref<128x128xf32, #tpu.memory_space<vmem>>) dst(%dma_wait3A_210 : memref<128x128xf32, #tpu.memory_space<hbm>>)
        %add3A_211 = arith.constant 6 : i32
        %add3A_212 = arith.addi %sub3A_89, %add3A_211 : i32
        %dma_start3A_213 = arith.constant 0 : i32
        %dma_start3A_214 = tpu.memref_slice %arg5[%add3A_212, %dma_start3A_213] : memref<26x128xi32, #tpu.memory_space<vmem>> -> memref<1x128xi32, #tpu.memory_space<vmem>>
        %dma_start3A_215 = tpu.memref_squeeze %dma_start3A_214 : memref<1x128xi32, #tpu.memory_space<vmem>> -> memref<128xi32, #tpu.memory_space<vmem>>
        %dma_start3A_216 = arith.constant 0 : i32
        %dma_start3A_217 = arith.constant 0 : i32
        %dma_start3A_218 = tpu.memref_slice %arg2[%dma_start3A_216, %dma_start3A_217] : memref<100000x128xf32, #tpu.memory_space<hbm>> -> memref<100000x128xf32, #tpu.memory_space<hbm>>
        tpu.enqueue_indirect_dma source(%dma_start3A_218 : memref<100000x128xf32, #tpu.memory_space<hbm>>) target(%arg9 : memref<128x128xf32, #tpu.memory_space<vmem>>) offsets(%dma_start3A_215 : memref<128xi32, #tpu.memory_space<vmem>>) semaphore(%arg15 : memref<!tpu.dma_semaphore, #tpu.memory_space<semaphore_mem>>)
      } else {
      }
      %lt3A_95 = arith.constant 26 : i32
      %lt3A_96 = arith.cmpi slt, %add3A_88, %lt3A_95 : i32
      %convert_element_type3A_97 = arith.extui %lt3A_96 : i1 to i32
      %cond3A_98 = arith.constant 0 : i32
      %cond3A_99 = arith.cmpi ne, %convert_element_type3A_97, %cond3A_98 : i32
      scf.if %cond3A_99 {
        %dma_wait3A_205 = arith.constant 0 : i32
        %dma_wait3A_206 = arith.constant 0 : i32
        %dma_wait3A_207 = tpu.memref_slice %arg5[%dma_wait3A_205, %dma_wait3A_206] : memref<26x128xi32, #tpu.memory_space<vmem>> -> memref<1x128xi32, #tpu.memory_space<vmem>>
        %dma_wait3A_208 = tpu.memref_squeeze %dma_wait3A_207 : memref<1x128xi32, #tpu.memory_space<vmem>> -> memref<128xi32, #tpu.memory_space<vmem>>
        %dma_wait3A_209 = arith.constant 0 : i32
        %dma_wait3A_210 = arith.constant 0 : i32
        %dma_wait3A_211 = tpu.memref_slice %arg2[%dma_wait3A_209, %dma_wait3A_210] : memref<100000x128xf32, #tpu.memory_space<hbm>> -> memref<100000x128xf32, #tpu.memory_space<hbm>>
        tpu.wait_indirect_dma semaphore(%arg12 : memref<!tpu.dma_semaphore, #tpu.memory_space<semaphore_mem>>) src(%dma_wait3A_211 : memref<100000x128xf32, #tpu.memory_space<hbm>>) dst(%arg6 : memref<128x128xf32, #tpu.memory_space<vmem>>)
        %mul3A_212 = arith.constant 4096 : i32
        %mul3A_213 = arith.muli %add3A_88, %mul3A_212 : i32
        %add3A_214 = arith.addi %mul3A_213, %mul3A_2 : i32
        %dma_start3A_215 = arith.constant 0 : i32
        %dma_start3A_216 = tpu.memref_slice %arg4[%add3A_214, %dma_start3A_215] : memref<106496x128xf32, #tpu.memory_space<hbm>> -> memref<128x128xf32, #tpu.memory_space<hbm>>
        %dma_start3A_217 = arith.constant 0 : i32
        %dma_start3A_218 = tpu.memref_slice %arg4[%add3A_214, %dma_start3A_217] : memref<106496x128xf32, #tpu.memory_space<hbm>> -> memref<128x128xf32, #tpu.memory_space<hbm>>
        tpu.enqueue_dma source(%arg6 : memref<128x128xf32, #tpu.memory_space<vmem>>) target(%dma_start3A_218 : memref<128x128xf32, #tpu.memory_space<hbm>>) target_semaphore(%arg18 : memref<!tpu.dma_semaphore, #tpu.memory_space<semaphore_mem>>)
      } else {
      }
      %mul3A_100 = arith.constant 6 : i32
      %mul3A_101 = arith.muli %scan3A_84, %mul3A_100 : i32
      %add3A_102 = arith.constant 1 : i32
      %add3A_103 = arith.addi %mul3A_101, %add3A_102 : i32
      %sub3A_104 = arith.constant 3 : i32
      %sub3A_105 = arith.subi %add3A_103, %sub3A_104 : i32
      %ge3A_106 = arith.constant 0 : i32
      %ge3A_107 = arith.cmpi sge, %sub3A_105, %ge3A_106 : i32
      %add3A_108 = arith.constant 6 : i32
      %add3A_109 = arith.addi %sub3A_105, %add3A_108 : i32
      %lt3A_110 = arith.constant 26 : i32
      %lt3A_111 = arith.cmpi slt, %add3A_109, %lt3A_110 : i32
      %and3A_112 = arith.andi %ge3A_107, %lt3A_111 : i1
      %convert_element_type3A_113 = arith.extui %and3A_112 : i1 to i32
      %cond3A_114 = arith.constant 0 : i32
      %cond3A_115 = arith.cmpi ne, %convert_element_type3A_113, %cond3A_114 : i32
      scf.if %cond3A_115 {
        %add3A_205 = arith.constant 0 : i32
        %add3A_206 = arith.addi %add3A_205, %mul3A_2 : i32
        %dma_wait3A_207 = arith.constant 0 : i32
        %dma_wait3A_208 = tpu.memref_slice %arg4[%add3A_206, %dma_wait3A_207] : memref<106496x128xf32, #tpu.memory_space<hbm>> -> memref<128x128xf32, #tpu.memory_space<hbm>>
        %dma_wait3A_209 = arith.constant 0 : i32
        %dma_wait3A_210 = tpu.memref_slice %arg4[%add3A_206, %dma_wait3A_209] : memref<106496x128xf32, #tpu.memory_space<hbm>> -> memref<128x128xf32, #tpu.memory_space<hbm>>
        tpu.wait_dma2 semaphore(%arg22 : memref<!tpu.dma_semaphore, #tpu.memory_space<semaphore_mem>>) src(%arg10 : memref<128x128xf32, #tpu.memory_space<vmem>>) dst(%dma_wait3A_210 : memref<128x128xf32, #tpu.memory_space<hbm>>)
        %add3A_211 = arith.constant 6 : i32
        %add3A_212 = arith.addi %sub3A_105, %add3A_211 : i32
        %dma_start3A_213 = arith.constant 0 : i32
        %dma_start3A_214 = tpu.memref_slice %arg5[%add3A_212, %dma_start3A_213] : memref<26x128xi32, #tpu.memory_space<vmem>> -> memref<1x128xi32, #tpu.memory_space<vmem>>
        %dma_start3A_215 = tpu.memref_squeeze %dma_start3A_214 : memref<1x128xi32, #tpu.memory_space<vmem>> -> memref<128xi32, #tpu.memory_space<vmem>>
        %dma_start3A_216 = arith.constant 0 : i32
        %dma_start3A_217 = arith.constant 0 : i32
        %dma_start3A_218 = tpu.memref_slice %arg2[%dma_start3A_216, %dma_start3A_217] : memref<100000x128xf32, #tpu.memory_space<hbm>> -> memref<100000x128xf32, #tpu.memory_space<hbm>>
        tpu.enqueue_indirect_dma source(%dma_start3A_218 : memref<100000x128xf32, #tpu.memory_space<hbm>>) target(%arg10 : memref<128x128xf32, #tpu.memory_space<vmem>>) offsets(%dma_start3A_215 : memref<128xi32, #tpu.memory_space<vmem>>) semaphore(%arg16 : memref<!tpu.dma_semaphore, #tpu.memory_space<semaphore_mem>>)
      } else {
      }
      %lt3A_116 = arith.constant 26 : i32
      %lt3A_117 = arith.cmpi slt, %add3A_103, %lt3A_116 : i32
      %convert_element_type3A_118 = arith.extui %lt3A_117 : i1 to i32
      %cond3A_119 = arith.constant 0 : i32
      %cond3A_120 = arith.cmpi ne, %convert_element_type3A_118, %cond3A_119 : i32
      scf.if %cond3A_120 {
        %dma_wait3A_205 = arith.constant 0 : i32
        %dma_wait3A_206 = arith.constant 0 : i32
        %dma_wait3A_207 = tpu.memref_slice %arg5[%dma_wait3A_205, %dma_wait3A_206] : memref<26x128xi32, #tpu.memory_space<vmem>> -> memref<1x128xi32, #tpu.memory_space<vmem>>
        %dma_wait3A_208 = tpu.memref_squeeze %dma_wait3A_207 : memref<1x128xi32, #tpu.memory_space<vmem>> -> memref<128xi32, #tpu.memory_space<vmem>>
        %dma_wait3A_209 = arith.constant 0 : i32
        %dma_wait3A_210 = arith.constant 0 : i32
        %dma_wait3A_211 = tpu.memref_slice %arg2[%dma_wait3A_209, %dma_wait3A_210] : memref<100000x128xf32, #tpu.memory_space<hbm>> -> memref<100000x128xf32, #tpu.memory_space<hbm>>
        tpu.wait_indirect_dma semaphore(%arg13 : memref<!tpu.dma_semaphore, #tpu.memory_space<semaphore_mem>>) src(%dma_wait3A_211 : memref<100000x128xf32, #tpu.memory_space<hbm>>) dst(%arg7 : memref<128x128xf32, #tpu.memory_space<vmem>>)
        %mul3A_212 = arith.constant 4096 : i32
        %mul3A_213 = arith.muli %add3A_103, %mul3A_212 : i32
        %add3A_214 = arith.addi %mul3A_213, %mul3A_2 : i32
        %dma_start3A_215 = arith.constant 0 : i32
        %dma_start3A_216 = tpu.memref_slice %arg4[%add3A_214, %dma_start3A_215] : memref<106496x128xf32, #tpu.memory_space<hbm>> -> memref<128x128xf32, #tpu.memory_space<hbm>>
        %dma_start3A_217 = arith.constant 0 : i32
        %dma_start3A_218 = tpu.memref_slice %arg4[%add3A_214, %dma_start3A_217] : memref<106496x128xf32, #tpu.memory_space<hbm>> -> memref<128x128xf32, #tpu.memory_space<hbm>>
        tpu.enqueue_dma source(%arg7 : memref<128x128xf32, #tpu.memory_space<vmem>>) target(%dma_start3A_218 : memref<128x128xf32, #tpu.memory_space<hbm>>) target_semaphore(%arg19 : memref<!tpu.dma_semaphore, #tpu.memory_space<semaphore_mem>>)
      } else {
      }
      %mul3A_121 = arith.constant 6 : i32
      %mul3A_122 = arith.muli %scan3A_84, %mul3A_121 : i32
      %add3A_123 = arith.constant 2 : i32
      %add3A_124 = arith.addi %mul3A_122, %add3A_123 : i32
      %sub3A_125 = arith.constant 3 : i32
      %sub3A_126 = arith.subi %add3A_124, %sub3A_125 : i32
      %ge3A_127 = arith.constant 0 : i32
      %ge3A_128 = arith.cmpi sge, %sub3A_126, %ge3A_127 : i32
      %add3A_129 = arith.constant 6 : i32
      %add3A_130 = arith.addi %sub3A_126, %add3A_129 : i32
      %lt3A_131 = arith.constant 26 : i32
      %lt3A_132 = arith.cmpi slt, %add3A_130, %lt3A_131 : i32
      %and3A_133 = arith.andi %ge3A_128, %lt3A_132 : i1
      %convert_element_type3A_134 = arith.extui %and3A_133 : i1 to i32
      %cond3A_135 = arith.constant 0 : i32
      %cond3A_136 = arith.cmpi ne, %convert_element_type3A_134, %cond3A_135 : i32
      scf.if %cond3A_136 {
        %add3A_205 = arith.constant 0 : i32
        %add3A_206 = arith.addi %add3A_205, %mul3A_2 : i32
        %dma_wait3A_207 = arith.constant 0 : i32
        %dma_wait3A_208 = tpu.memref_slice %arg4[%add3A_206, %dma_wait3A_207] : memref<106496x128xf32, #tpu.memory_space<hbm>> -> memref<128x128xf32, #tpu.memory_space<hbm>>
        %dma_wait3A_209 = arith.constant 0 : i32
        %dma_wait3A_210 = tpu.memref_slice %arg4[%add3A_206, %dma_wait3A_209] : memref<106496x128xf32, #tpu.memory_space<hbm>> -> memref<128x128xf32, #tpu.memory_space<hbm>>
        tpu.wait_dma2 semaphore(%arg23 : memref<!tpu.dma_semaphore, #tpu.memory_space<semaphore_mem>>) src(%arg11 : memref<128x128xf32, #tpu.memory_space<vmem>>) dst(%dma_wait3A_210 : memref<128x128xf32, #tpu.memory_space<hbm>>)
        %add3A_211 = arith.constant 6 : i32
        %add3A_212 = arith.addi %sub3A_126, %add3A_211 : i32
        %dma_start3A_213 = arith.constant 0 : i32
        %dma_start3A_214 = tpu.memref_slice %arg5[%add3A_212, %dma_start3A_213] : memref<26x128xi32, #tpu.memory_space<vmem>> -> memref<1x128xi32, #tpu.memory_space<vmem>>
        %dma_start3A_215 = tpu.memref_squeeze %dma_start3A_214 : memref<1x128xi32, #tpu.memory_space<vmem>> -> memref<128xi32, #tpu.memory_space<vmem>>
        %dma_start3A_216 = arith.constant 0 : i32
        %dma_start3A_217 = arith.constant 0 : i32
        %dma_start3A_218 = tpu.memref_slice %arg2[%dma_start3A_216, %dma_start3A_217] : memref<100000x128xf32, #tpu.memory_space<hbm>> -> memref<100000x128xf32, #tpu.memory_space<hbm>>
        tpu.enqueue_indirect_dma source(%dma_start3A_218 : memref<100000x128xf32, #tpu.memory_space<hbm>>) target(%arg11 : memref<128x128xf32, #tpu.memory_space<vmem>>) offsets(%dma_start3A_215 : memref<128xi32, #tpu.memory_space<vmem>>) semaphore(%arg17 : memref<!tpu.dma_semaphore, #tpu.memory_space<semaphore_mem>>)
      } else {
      }
      %lt3A_137 = arith.constant 26 : i32
      %lt3A_138 = arith.cmpi slt, %add3A_124, %lt3A_137 : i32
      %convert_element_type3A_139 = arith.extui %lt3A_138 : i1 to i32
      %cond3A_140 = arith.constant 0 : i32
      %cond3A_141 = arith.cmpi ne, %convert_element_type3A_139, %cond3A_140 : i32
      scf.if %cond3A_141 {
        %dma_wait3A_205 = arith.constant 0 : i32
        %dma_wait3A_206 = arith.constant 0 : i32
        %dma_wait3A_207 = tpu.memref_slice %arg5[%dma_wait3A_205, %dma_wait3A_206] : memref<26x128xi32, #tpu.memory_space<vmem>> -> memref<1x128xi32, #tpu.memory_space<vmem>>
        %dma_wait3A_208 = tpu.memref_squeeze %dma_wait3A_207 : memref<1x128xi32, #tpu.memory_space<vmem>> -> memref<128xi32, #tpu.memory_space<vmem>>
        %dma_wait3A_209 = arith.constant 0 : i32
        %dma_wait3A_210 = arith.constant 0 : i32
        %dma_wait3A_211 = tpu.memref_slice %arg2[%dma_wait3A_209, %dma_wait3A_210] : memref<100000x128xf32, #tpu.memory_space<hbm>> -> memref<100000x128xf32, #tpu.memory_space<hbm>>
        tpu.wait_indirect_dma semaphore(%arg14 : memref<!tpu.dma_semaphore, #tpu.memory_space<semaphore_mem>>) src(%dma_wait3A_211 : memref<100000x128xf32, #tpu.memory_space<hbm>>) dst(%arg8 : memref<128x128xf32, #tpu.memory_space<vmem>>)
        %mul3A_212 = arith.constant 4096 : i32
        %mul3A_213 = arith.muli %add3A_124, %mul3A_212 : i32
        %add3A_214 = arith.addi %mul3A_213, %mul3A_2 : i32
        %dma_start3A_215 = arith.constant 0 : i32
        %dma_start3A_216 = tpu.memref_slice %arg4[%add3A_214, %dma_start3A_215] : memref<106496x128xf32, #tpu.memory_space<hbm>> -> memref<128x128xf32, #tpu.memory_space<hbm>>
        %dma_start3A_217 = arith.constant 0 : i32
        %dma_start3A_218 = tpu.memref_slice %arg4[%add3A_214, %dma_start3A_217] : memref<106496x128xf32, #tpu.memory_space<hbm>> -> memref<128x128xf32, #tpu.memory_space<hbm>>
        tpu.enqueue_dma source(%arg8 : memref<128x128xf32, #tpu.memory_space<vmem>>) target(%dma_start3A_218 : memref<128x128xf32, #tpu.memory_space<hbm>>) target_semaphore(%arg20 : memref<!tpu.dma_semaphore, #tpu.memory_space<semaphore_mem>>)
      } else {
      }
      %mul3A_142 = arith.constant 6 : i32
      %mul3A_143 = arith.muli %scan3A_84, %mul3A_142 : i32
      %add3A_144 = arith.constant 3 : i32
      %add3A_145 = arith.addi %mul3A_143, %add3A_144 : i32
      %sub3A_146 = arith.constant 3 : i32
      %sub3A_147 = arith.subi %add3A_145, %sub3A_146 : i32
      %ge3A_148 = arith.constant 0 : i32
      %ge3A_149 = arith.cmpi sge, %sub3A_147, %ge3A_148 : i32
      %add3A_150 = arith.constant 6 : i32
      %add3A_151 = arith.addi %sub3A_147, %add3A_150 : i32
      %lt3A_152 = arith.constant 26 : i32
      %lt3A_153 = arith.cmpi slt, %add3A_151, %lt3A_152 : i32
      %and3A_154 = arith.andi %ge3A_149, %lt3A_153 : i1
      %convert_element_type3A_155 = arith.extui %and3A_154 : i1 to i32
      %cond3A_156 = arith.constant 0 : i32
      %cond3A_157 = arith.cmpi ne, %convert_element_type3A_155, %cond3A_156 : i32
      scf.if %cond3A_157 {
        %add3A_205 = arith.constant 0 : i32
        %add3A_206 = arith.addi %add3A_205, %mul3A_2 : i32
        %dma_wait3A_207 = arith.constant 0 : i32
        %dma_wait3A_208 = tpu.memref_slice %arg4[%add3A_206, %dma_wait3A_207] : memref<106496x128xf32, #tpu.memory_space<hbm>> -> memref<128x128xf32, #tpu.memory_space<hbm>>
        %dma_wait3A_209 = arith.constant 0 : i32
        %dma_wait3A_210 = tpu.memref_slice %arg4[%add3A_206, %dma_wait3A_209] : memref<106496x128xf32, #tpu.memory_space<hbm>> -> memref<128x128xf32, #tpu.memory_space<hbm>>
        tpu.wait_dma2 semaphore(%arg18 : memref<!tpu.dma_semaphore, #tpu.memory_space<semaphore_mem>>) src(%arg6 : memref<128x128xf32, #tpu.memory_space<vmem>>) dst(%dma_wait3A_210 : memref<128x128xf32, #tpu.memory_space<hbm>>)
        %add3A_211 = arith.constant 6 : i32
        %add3A_212 = arith.addi %sub3A_147, %add3A_211 : i32
        %dma_start3A_213 = arith.constant 0 : i32
        %dma_start3A_214 = tpu.memref_slice %arg5[%add3A_212, %dma_start3A_213] : memref<26x128xi32, #tpu.memory_space<vmem>> -> memref<1x128xi32, #tpu.memory_space<vmem>>
        %dma_start3A_215 = tpu.memref_squeeze %dma_start3A_214 : memref<1x128xi32, #tpu.memory_space<vmem>> -> memref<128xi32, #tpu.memory_space<vmem>>
        %dma_start3A_216 = arith.constant 0 : i32
        %dma_start3A_217 = arith.constant 0 : i32
        %dma_start3A_218 = tpu.memref_slice %arg2[%dma_start3A_216, %dma_start3A_217] : memref<100000x128xf32, #tpu.memory_space<hbm>> -> memref<100000x128xf32, #tpu.memory_space<hbm>>
        tpu.enqueue_indirect_dma source(%dma_start3A_218 : memref<100000x128xf32, #tpu.memory_space<hbm>>) target(%arg6 : memref<128x128xf32, #tpu.memory_space<vmem>>) offsets(%dma_start3A_215 : memref<128xi32, #tpu.memory_space<vmem>>) semaphore(%arg12 : memref<!tpu.dma_semaphore, #tpu.memory_space<semaphore_mem>>)
      } else {
      }
      %lt3A_158 = arith.constant 26 : i32
      %lt3A_159 = arith.cmpi slt, %add3A_145, %lt3A_158 : i32
      %convert_element_type3A_160 = arith.extui %lt3A_159 : i1 to i32
      %cond3A_161 = arith.constant 0 : i32
      %cond3A_162 = arith.cmpi ne, %convert_element_type3A_160, %cond3A_161 : i32
      scf.if %cond3A_162 {
        %dma_wait3A_205 = arith.constant 0 : i32
        %dma_wait3A_206 = arith.constant 0 : i32
        %dma_wait3A_207 = tpu.memref_slice %arg5[%dma_wait3A_205, %dma_wait3A_206] : memref<26x128xi32, #tpu.memory_space<vmem>> -> memref<1x128xi32, #tpu.memory_space<vmem>>
        %dma_wait3A_208 = tpu.memref_squeeze %dma_wait3A_207 : memref<1x128xi32, #tpu.memory_space<vmem>> -> memref<128xi32, #tpu.memory_space<vmem>>
        %dma_wait3A_209 = arith.constant 0 : i32
        %dma_wait3A_210 = arith.constant 0 : i32
        %dma_wait3A_211 = tpu.memref_slice %arg2[%dma_wait3A_209, %dma_wait3A_210] : memref<100000x128xf32, #tpu.memory_space<hbm>> -> memref<100000x128xf32, #tpu.memory_space<hbm>>
        tpu.wait_indirect_dma semaphore(%arg15 : memref<!tpu.dma_semaphore, #tpu.memory_space<semaphore_mem>>) src(%dma_wait3A_211 : memref<100000x128xf32, #tpu.memory_space<hbm>>) dst(%arg9 : memref<128x128xf32, #tpu.memory_space<vmem>>)
        %mul3A_212 = arith.constant 4096 : i32
        %mul3A_213 = arith.muli %add3A_145, %mul3A_212 : i32
        %add3A_214 = arith.addi %mul3A_213, %mul3A_2 : i32
        %dma_start3A_215 = arith.constant 0 : i32
        %dma_start3A_216 = tpu.memref_slice %arg4[%add3A_214, %dma_start3A_215] : memref<106496x128xf32, #tpu.memory_space<hbm>> -> memref<128x128xf32, #tpu.memory_space<hbm>>
        %dma_start3A_217 = arith.constant 0 : i32
        %dma_start3A_218 = tpu.memref_slice %arg4[%add3A_214, %dma_start3A_217] : memref<106496x128xf32, #tpu.memory_space<hbm>> -> memref<128x128xf32, #tpu.memory_space<hbm>>
        tpu.enqueue_dma source(%arg9 : memref<128x128xf32, #tpu.memory_space<vmem>>) target(%dma_start3A_218 : memref<128x128xf32, #tpu.memory_space<hbm>>) target_semaphore(%arg21 : memref<!tpu.dma_semaphore, #tpu.memory_space<semaphore_mem>>)
      } else {
      }
      %mul3A_163 = arith.constant 6 : i32
      %mul3A_164 = arith.muli %scan3A_84, %mul3A_163 : i32
      %add3A_165 = arith.constant 4 : i32
      %add3A_166 = arith.addi %mul3A_164, %add3A_165 : i32
      %sub3A_167 = arith.constant 3 : i32
      %sub3A_168 = arith.subi %add3A_166, %sub3A_167 : i32
      %ge3A_169 = arith.constant 0 : i32
      %ge3A_170 = arith.cmpi sge, %sub3A_168, %ge3A_169 : i32
      %add3A_171 = arith.constant 6 : i32
      %add3A_172 = arith.addi %sub3A_168, %add3A_171 : i32
      %lt3A_173 = arith.constant 26 : i32
      %lt3A_174 = arith.cmpi slt, %add3A_172, %lt3A_173 : i32
      %and3A_175 = arith.andi %ge3A_170, %lt3A_174 : i1
      %convert_element_type3A_176 = arith.extui %and3A_175 : i1 to i32
      %cond3A_177 = arith.constant 0 : i32
      %cond3A_178 = arith.cmpi ne, %convert_element_type3A_176, %cond3A_177 : i32
      scf.if %cond3A_178 {
        %add3A_205 = arith.constant 0 : i32
        %add3A_206 = arith.addi %add3A_205, %mul3A_2 : i32
        %dma_wait3A_207 = arith.constant 0 : i32
        %dma_wait3A_208 = tpu.memref_slice %arg4[%add3A_206, %dma_wait3A_207] : memref<106496x128xf32, #tpu.memory_space<hbm>> -> memref<128x128xf32, #tpu.memory_space<hbm>>
        %dma_wait3A_209 = arith.constant 0 : i32
        %dma_wait3A_210 = tpu.memref_slice %arg4[%add3A_206, %dma_wait3A_209] : memref<106496x128xf32, #tpu.memory_space<hbm>> -> memref<128x128xf32, #tpu.memory_space<hbm>>
        tpu.wait_dma2 semaphore(%arg19 : memref<!tpu.dma_semaphore, #tpu.memory_space<semaphore_mem>>) src(%arg7 : memref<128x128xf32, #tpu.memory_space<vmem>>) dst(%dma_wait3A_210 : memref<128x128xf32, #tpu.memory_space<hbm>>)
        %add3A_211 = arith.constant 6 : i32
        %add3A_212 = arith.addi %sub3A_168, %add3A_211 : i32
        %dma_start3A_213 = arith.constant 0 : i32
        %dma_start3A_214 = tpu.memref_slice %arg5[%add3A_212, %dma_start3A_213] : memref<26x128xi32, #tpu.memory_space<vmem>> -> memref<1x128xi32, #tpu.memory_space<vmem>>
        %dma_start3A_215 = tpu.memref_squeeze %dma_start3A_214 : memref<1x128xi32, #tpu.memory_space<vmem>> -> memref<128xi32, #tpu.memory_space<vmem>>
        %dma_start3A_216 = arith.constant 0 : i32
        %dma_start3A_217 = arith.constant 0 : i32
        %dma_start3A_218 = tpu.memref_slice %arg2[%dma_start3A_216, %dma_start3A_217] : memref<100000x128xf32, #tpu.memory_space<hbm>> -> memref<100000x128xf32, #tpu.memory_space<hbm>>
        tpu.enqueue_indirect_dma source(%dma_start3A_218 : memref<100000x128xf32, #tpu.memory_space<hbm>>) target(%arg7 : memref<128x128xf32, #tpu.memory_space<vmem>>) offsets(%dma_start3A_215 : memref<128xi32, #tpu.memory_space<vmem>>) semaphore(%arg13 : memref<!tpu.dma_semaphore, #tpu.memory_space<semaphore_mem>>)
      } else {
      }
      %lt3A_179 = arith.constant 26 : i32
      %lt3A_180 = arith.cmpi slt, %add3A_166, %lt3A_179 : i32
      %convert_element_type3A_181 = arith.extui %lt3A_180 : i1 to i32
      %cond3A_182 = arith.constant 0 : i32
      %cond3A_183 = arith.cmpi ne, %convert_element_type3A_181, %cond3A_182 : i32
      scf.if %cond3A_183 {
        %dma_wait3A_205 = arith.constant 0 : i32
        %dma_wait3A_206 = arith.constant 0 : i32
        %dma_wait3A_207 = tpu.memref_slice %arg5[%dma_wait3A_205, %dma_wait3A_206] : memref<26x128xi32, #tpu.memory_space<vmem>> -> memref<1x128xi32, #tpu.memory_space<vmem>>
        %dma_wait3A_208 = tpu.memref_squeeze %dma_wait3A_207 : memref<1x128xi32, #tpu.memory_space<vmem>> -> memref<128xi32, #tpu.memory_space<vmem>>
        %dma_wait3A_209 = arith.constant 0 : i32
        %dma_wait3A_210 = arith.constant 0 : i32
        %dma_wait3A_211 = tpu.memref_slice %arg2[%dma_wait3A_209, %dma_wait3A_210] : memref<100000x128xf32, #tpu.memory_space<hbm>> -> memref<100000x128xf32, #tpu.memory_space<hbm>>
        tpu.wait_indirect_dma semaphore(%arg16 : memref<!tpu.dma_semaphore, #tpu.memory_space<semaphore_mem>>) src(%dma_wait3A_211 : memref<100000x128xf32, #tpu.memory_space<hbm>>) dst(%arg10 : memref<128x128xf32, #tpu.memory_space<vmem>>)
        %mul3A_212 = arith.constant 4096 : i32
        %mul3A_213 = arith.muli %add3A_166, %mul3A_212 : i32
        %add3A_214 = arith.addi %mul3A_213, %mul3A_2 : i32
        %dma_start3A_215 = arith.constant 0 : i32
        %dma_start3A_216 = tpu.memref_slice %arg4[%add3A_214, %dma_start3A_215] : memref<106496x128xf32, #tpu.memory_space<hbm>> -> memref<128x128xf32, #tpu.memory_space<hbm>>
        %dma_start3A_217 = arith.constant 0 : i32
        %dma_start3A_218 = tpu.memref_slice %arg4[%add3A_214, %dma_start3A_217] : memref<106496x128xf32, #tpu.memory_space<hbm>> -> memref<128x128xf32, #tpu.memory_space<hbm>>
        tpu.enqueue_dma source(%arg10 : memref<128x128xf32, #tpu.memory_space<vmem>>) target(%dma_start3A_218 : memref<128x128xf32, #tpu.memory_space<hbm>>) target_semaphore(%arg22 : memref<!tpu.dma_semaphore, #tpu.memory_space<semaphore_mem>>)
      } else {
      }
      %mul3A_184 = arith.constant 6 : i32
      %mul3A_185 = arith.muli %scan3A_84, %mul3A_184 : i32
      %add3A_186 = arith.constant 5 : i32
      %add3A_187 = arith.addi %mul3A_185, %add3A_186 : i32
      %sub3A_188 = arith.constant 3 : i32
      %sub3A_189 = arith.subi %add3A_187, %sub3A_188 : i32
      %ge3A_190 = arith.constant 0 : i32
      %ge3A_191 = arith.cmpi sge, %sub3A_189, %ge3A_190 : i32
      %add3A_192 = arith.constant 6 : i32
      %add3A_193 = arith.addi %sub3A_189, %add3A_192 : i32
      %lt3A_194 = arith.constant 26 : i32
      %lt3A_195 = arith.cmpi slt, %add3A_193, %lt3A_194 : i32
      %and3A_196 = arith.andi %ge3A_191, %lt3A_195 : i1
      %convert_element_type3A_197 = arith.extui %and3A_196 : i1 to i32
      %cond3A_198 = arith.constant 0 : i32
      %cond3A_199 = arith.cmpi ne, %convert_element_type3A_197, %cond3A_198 : i32
      scf.if %cond3A_199 {
        %add3A_205 = arith.constant 0 : i32
        %add3A_206 = arith.addi %add3A_205, %mul3A_2 : i32
        %dma_wait3A_207 = arith.constant 0 : i32
        %dma_wait3A_208 = tpu.memref_slice %arg4[%add3A_206, %dma_wait3A_207] : memref<106496x128xf32, #tpu.memory_space<hbm>> -> memref<128x128xf32, #tpu.memory_space<hbm>>
        %dma_wait3A_209 = arith.constant 0 : i32
        %dma_wait3A_210 = tpu.memref_slice %arg4[%add3A_206, %dma_wait3A_209] : memref<106496x128xf32, #tpu.memory_space<hbm>> -> memref<128x128xf32, #tpu.memory_space<hbm>>
        tpu.wait_dma2 semaphore(%arg20 : memref<!tpu.dma_semaphore, #tpu.memory_space<semaphore_mem>>) src(%arg8 : memref<128x128xf32, #tpu.memory_space<vmem>>) dst(%dma_wait3A_210 : memref<128x128xf32, #tpu.memory_space<hbm>>)
        %add3A_211 = arith.constant 6 : i32
        %add3A_212 = arith.addi %sub3A_189, %add3A_211 : i32
        %dma_start3A_213 = arith.constant 0 : i32
        %dma_start3A_214 = tpu.memref_slice %arg5[%add3A_212, %dma_start3A_213] : memref<26x128xi32, #tpu.memory_space<vmem>> -> memref<1x128xi32, #tpu.memory_space<vmem>>
        %dma_start3A_215 = tpu.memref_squeeze %dma_start3A_214 : memref<1x128xi32, #tpu.memory_space<vmem>> -> memref<128xi32, #tpu.memory_space<vmem>>
        %dma_start3A_216 = arith.constant 0 : i32
        %dma_start3A_217 = arith.constant 0 : i32
        %dma_start3A_218 = tpu.memref_slice %arg2[%dma_start3A_216, %dma_start3A_217] : memref<100000x128xf32, #tpu.memory_space<hbm>> -> memref<100000x128xf32, #tpu.memory_space<hbm>>
        tpu.enqueue_indirect_dma source(%dma_start3A_218 : memref<100000x128xf32, #tpu.memory_space<hbm>>) target(%arg8 : memref<128x128xf32, #tpu.memory_space<vmem>>) offsets(%dma_start3A_215 : memref<128xi32, #tpu.memory_space<vmem>>) semaphore(%arg14 : memref<!tpu.dma_semaphore, #tpu.memory_space<semaphore_mem>>)
      } else {
      }
      %lt3A_200 = arith.constant 26 : i32
      %lt3A_201 = arith.cmpi slt, %add3A_187, %lt3A_200 : i32
      %convert_element_type3A_202 = arith.extui %lt3A_201 : i1 to i32
      %cond3A_203 = arith.constant 0 : i32
      %cond3A_204 = arith.cmpi ne, %convert_element_type3A_202, %cond3A_203 : i32
      scf.if %cond3A_204 {
        %dma_wait3A_205 = arith.constant 0 : i32
        %dma_wait3A_206 = arith.constant 0 : i32
        %dma_wait3A_207 = tpu.memref_slice %arg5[%dma_wait3A_205, %dma_wait3A_206] : memref<26x128xi32, #tpu.memory_space<vmem>> -> memref<1x128xi32, #tpu.memory_space<vmem>>
        %dma_wait3A_208 = tpu.memref_squeeze %dma_wait3A_207 : memref<1x128xi32, #tpu.memory_space<vmem>> -> memref<128xi32, #tpu.memory_space<vmem>>
        %dma_wait3A_209 = arith.constant 0 : i32
        %dma_wait3A_210 = arith.constant 0 : i32
        %dma_wait3A_211 = tpu.memref_slice %arg2[%dma_wait3A_209, %dma_wait3A_210] : memref<100000x128xf32, #tpu.memory_space<hbm>> -> memref<100000x128xf32, #tpu.memory_space<hbm>>
        tpu.wait_indirect_dma semaphore(%arg17 : memref<!tpu.dma_semaphore, #tpu.memory_space<semaphore_mem>>) src(%dma_wait3A_211 : memref<100000x128xf32, #tpu.memory_space<hbm>>) dst(%arg11 : memref<128x128xf32, #tpu.memory_space<vmem>>)
        %mul3A_212 = arith.constant 4096 : i32
        %mul3A_213 = arith.muli %add3A_187, %mul3A_212 : i32
        %add3A_214 = arith.addi %mul3A_213, %mul3A_2 : i32
        %dma_start3A_215 = arith.constant 0 : i32
        %dma_start3A_216 = tpu.memref_slice %arg4[%add3A_214, %dma_start3A_215] : memref<106496x128xf32, #tpu.memory_space<hbm>> -> memref<128x128xf32, #tpu.memory_space<hbm>>
        %dma_start3A_217 = arith.constant 0 : i32
        %dma_start3A_218 = tpu.memref_slice %arg4[%add3A_214, %dma_start3A_217] : memref<106496x128xf32, #tpu.memory_space<hbm>> -> memref<128x128xf32, #tpu.memory_space<hbm>>
        tpu.enqueue_dma source(%arg11 : memref<128x128xf32, #tpu.memory_space<vmem>>) target(%dma_start3A_218 : memref<128x128xf32, #tpu.memory_space<hbm>>) target_semaphore(%arg23 : memref<!tpu.dma_semaphore, #tpu.memory_space<semaphore_mem>>)
      } else {
      }
    }
    %scan3A_48 = arith.constant 5 : i32
    %add3A_49 = arith.constant 0 : i32
    %add3A_50 = arith.addi %add3A_49, %mul3A_2 : i32
    %dma_wait3A = arith.constant 0 : i32
    %dma_wait3A_51 = tpu.memref_slice %arg4[%add3A_50, %dma_wait3A] : memref<106496x128xf32, #tpu.memory_space<hbm>> -> memref<128x128xf32, #tpu.memory_space<hbm>>
    %dma_wait3A_52 = arith.constant 0 : i32
    %dma_wait3A_53 = tpu.memref_slice %arg4[%add3A_50, %dma_wait3A_52] : memref<106496x128xf32, #tpu.memory_space<hbm>> -> memref<128x128xf32, #tpu.memory_space<hbm>>
    tpu.wait_dma2 semaphore(%arg18 : memref<!tpu.dma_semaphore, #tpu.memory_space<semaphore_mem>>) src(%arg6 : memref<128x128xf32, #tpu.memory_space<vmem>>) dst(%dma_wait3A_53 : memref<128x128xf32, #tpu.memory_space<hbm>>)
    %add3A_54 = arith.constant 0 : i32
    %add3A_55 = arith.addi %add3A_54, %mul3A_2 : i32
    %dma_wait3A_56 = arith.constant 0 : i32
    %dma_wait3A_57 = tpu.memref_slice %arg4[%add3A_55, %dma_wait3A_56] : memref<106496x128xf32, #tpu.memory_space<hbm>> -> memref<128x128xf32, #tpu.memory_space<hbm>>
    %dma_wait3A_58 = arith.constant 0 : i32
    %dma_wait3A_59 = tpu.memref_slice %arg4[%add3A_55, %dma_wait3A_58] : memref<106496x128xf32, #tpu.memory_space<hbm>> -> memref<128x128xf32, #tpu.memory_space<hbm>>
    tpu.wait_dma2 semaphore(%arg19 : memref<!tpu.dma_semaphore, #tpu.memory_space<semaphore_mem>>) src(%arg7 : memref<128x128xf32, #tpu.memory_space<vmem>>) dst(%dma_wait3A_59 : memref<128x128xf32, #tpu.memory_space<hbm>>)
    %add3A_60 = arith.constant 0 : i32
    %add3A_61 = arith.addi %add3A_60, %mul3A_2 : i32
    %dma_wait3A_62 = arith.constant 0 : i32
    %dma_wait3A_63 = tpu.memref_slice %arg4[%add3A_61, %dma_wait3A_62] : memref<106496x128xf32, #tpu.memory_space<hbm>> -> memref<128x128xf32, #tpu.memory_space<hbm>>
    %dma_wait3A_64 = arith.constant 0 : i32
    %dma_wait3A_65 = tpu.memref_slice %arg4[%add3A_61, %dma_wait3A_64] : memref<106496x128xf32, #tpu.memory_space<hbm>> -> memref<128x128xf32, #tpu.memory_space<hbm>>
    tpu.wait_dma2 semaphore(%arg20 : memref<!tpu.dma_semaphore, #tpu.memory_space<semaphore_mem>>) src(%arg8 : memref<128x128xf32, #tpu.memory_space<vmem>>) dst(%dma_wait3A_65 : memref<128x128xf32, #tpu.memory_space<hbm>>)
    %add3A_66 = arith.constant 0 : i32
    %add3A_67 = arith.addi %add3A_66, %mul3A_2 : i32
    %dma_wait3A_68 = arith.constant 0 : i32
    %dma_wait3A_69 = tpu.memref_slice %arg4[%add3A_67, %dma_wait3A_68] : memref<106496x128xf32, #tpu.memory_space<hbm>> -> memref<128x128xf32, #tpu.memory_space<hbm>>
    %dma_wait3A_70 = arith.constant 0 : i32
    %dma_wait3A_71 = tpu.memref_slice %arg4[%add3A_67, %dma_wait3A_70] : memref<106496x128xf32, #tpu.memory_space<hbm>> -> memref<128x128xf32, #tpu.memory_space<hbm>>
    tpu.wait_dma2 semaphore(%arg21 : memref<!tpu.dma_semaphore, #tpu.memory_space<semaphore_mem>>) src(%arg9 : memref<128x128xf32, #tpu.memory_space<vmem>>) dst(%dma_wait3A_71 : memref<128x128xf32, #tpu.memory_space<hbm>>)
    %add3A_72 = arith.constant 0 : i32
    %add3A_73 = arith.addi %add3A_72, %mul3A_2 : i32
    %dma_wait3A_74 = arith.constant 0 : i32
    %dma_wait3A_75 = tpu.memref_slice %arg4[%add3A_73, %dma_wait3A_74] : memref<106496x128xf32, #tpu.memory_space<hbm>> -> memref<128x128xf32, #tpu.memory_space<hbm>>
    %dma_wait3A_76 = arith.constant 0 : i32
    %dma_wait3A_77 = tpu.memref_slice %arg4[%add3A_73, %dma_wait3A_76] : memref<106496x128xf32, #tpu.memory_space<hbm>> -> memref<128x128xf32, #tpu.memory_space<hbm>>
    tpu.wait_dma2 semaphore(%arg22 : memref<!tpu.dma_semaphore, #tpu.memory_space<semaphore_mem>>) src(%arg10 : memref<128x128xf32, #tpu.memory_space<vmem>>) dst(%dma_wait3A_77 : memref<128x128xf32, #tpu.memory_space<hbm>>)
    %add3A_78 = arith.constant 0 : i32
    %add3A_79 = arith.addi %add3A_78, %mul3A_2 : i32
    %dma_wait3A_80 = arith.constant 0 : i32
    %dma_wait3A_81 = tpu.memref_slice %arg4[%add3A_79, %dma_wait3A_80] : memref<106496x128xf32, #tpu.memory_space<hbm>> -> memref<128x128xf32, #tpu.memory_space<hbm>>
    %dma_wait3A_82 = arith.constant 0 : i32
    %dma_wait3A_83 = tpu.memref_slice %arg4[%add3A_79, %dma_wait3A_82] : memref<106496x128xf32, #tpu.memory_space<hbm>> -> memref<128x128xf32, #tpu.memory_space<hbm>>
    tpu.wait_dma2 semaphore(%arg23 : memref<!tpu.dma_semaphore, #tpu.memory_space<semaphore_mem>>) src(%arg11 : memref<128x128xf32, #tpu.memory_space<vmem>>) dst(%dma_wait3A_83 : memref<128x128xf32, #tpu.memory_space<hbm>>)
    return
  }
}

</mosaic_0001>

<sc_bundles>
// kernel: kernel.3.cloned.1.call-start
scs
__scs_entry_jumppad:
0x0: {  	(pc) =	sbr.rel $0x88, $3  }
0x1: {  	(tag) =	ssettag $0x0;
	lr =	simm.s32 $0x1  }
0x2: {  	[smem:$0x3F9F] =	sst lr;
	_ =	strace $0xD0000000  }
0x3: {  	_ = 	snop  }
0x4: {  	_ = 	snop  }
0x5: {  	_ = 	snop  }
0x6: {  	_ = 	snop  }
0x7: {  	_ = 	snop  }
__scs_overlays_trampoline_lowered:
0x8: {  	[smem:$0x3FAE] =	sst s0  }
0x9: {  	[smem:$0x3FAF] =	sst s1  }
0xa: {  	[smem:$0x3FB0] =	sst s2  }
0xb: {  	[smem:$0x3FB1] =	sst s3  }
0xc: {  	[smem:$0x3FB2] =	sst s4  }
0xd: {  	[smem:$0x3FB3] =	sst s5  }
0xe: {  	[smem:$0x3FB4] =	sst s6  }
0xf: {  	[smem:$0x3FB5] =	sst s7  }
0x10: {  	[smem:$0x3FB6] =	sst s8  }
0x11: {  	[smem:$0x3FB7] =	sst s9;
	s0 =	simm.s32 @!p0 $0x0  }
0x12: {  	s1 =	sld [smem:$0x3F9D];
	s0 =	simm.s32 @p0 $0x1  }
0x13: {  	[smem:$0x3FB8] =	sst s0;
	s0 =	simm.s32 @!p1 $0x0  }
0x14: {  	s2 =	sld [smem:$0x3F9C];
	s0 =	simm.s32 @p1 $0x1  }
0x15: {  	[smem:$0x3FB9] =	sst s0;
	s0 =	simm.s32 @!p2 $0x0  }
0x16: {  	s3 =	sld [smem:$0x3FDB];
	s0 =	simm.s32 @p2 $0x1  }
0x17: {  	s4 =	simm.s32 $0x1BF5;
	[smem:$0x3FBB] =	sst s0  }
0x18: {  	s0 =	sld [smem:$0x3F9E];
	_ =	swait.ge [sflag:s4], $0x0  }
0x19: {  	s7 =	sld [smem:$0x3F9F]  }
0x1a: {  	s8 =	sadd.s32 $0xFFFFE003, lr  }
0x1b: {  	s9 =	sadd.s32 $0xFFFFFEF7, lr;
	s5 =	simm.s32 $0xFFFFFFFF;
	p2 =	slt.u32 s8, $0xFFFFF086  }
0x1c: {  	p1 =	slt.u32 s9, $0xF7A;
	s5 =	simm.s32 @!p2 $0x0  }
0x1d: {  	s5 =	simm.s32 @p1 $0x1;
	p0 =	seq.s32 s7, s2  }
0x1e: {  	s7 =	smul.u32 @!p0 $0xF7A, s2;
	p2 =	seq.s32 @!p0 s5, $0x0  }
0x1f: {  	s9 =	smul.u32 $0xF7A, s1;
	s8 =	simm.s32 @!p0 $0x1BF5;
	p2 =	por !p2, p0  }
0x20: {  	[sflag:s8] =	ssyncset.s32 @!p0 $0xFFFFF086;
	s6 =	sadd.s32 @!p0 s3, s7;
	s7 =	simm.s32 @!p0 $0x108  }
0x21: {  	s3 =	sadd.s32 s3, s9;
	s6 =	sadd.s32 @!p0 $0x88, s6;
	s7 =	simm.s32 @p2 $0x1082  }
0x22: {  	[simem:s7], [sflag:s8] =	dma.local @!p0 [hbm:s6], $0xF7A  }
0x23: {  	s9 =	sor.u32 $0xD0000000, s2;
	s6 =	simm.s32 $0x108;
	_ =	swait.ge @!p0 [sflag:s8], $0x0  }
0x24: {  	s3 =	sadd.s32 $0x88, s3;
	s6 =	simm.s32 @!p1 $0x1082;
	[sflag:s4] =	ssyncset.s32 $0xFFFFF086  }
0x25: {  	[simem:s6], [sflag:s4] =	dma.local [hbm:s3], $0xF7A  }
0x26: {  	[smem:$0x3F9F] =	sst s1;
	(tag) =	ssettag s2;
	_ =	strace s9  }
0x27: {  	s1 =	sld [smem:$0x3FAF]  }
0x28: {  	s2 =	sld [smem:$0x3FB0]  }
0x29: {  	s4 =	sld [smem:$0x3FB2]  }
0x2a: {  	p0 =	seq.s32 s5, $0x0;
	s5 =	sld [smem:$0x3FB3]  }
0x2b: {  	s6 =	sld [smem:$0x3FB4]  }
0x2c: {  	s7 =	sld [smem:$0x3FB5]  }
0x2d: {  	s3 =	simm.s32 $0x108;
	s8 =	sld [smem:$0x3FB6]  }
0x2e: {  	s3 =	simm.s32 @!p0 $0x1082;
	s9 =	sld [smem:$0x3FB7]  }
0x2f: {  	lr =	sadd.s32 s0, s3;
	s0 =	sld [smem:$0x3FAE]  }
0x30: {  	s3 =	sld [smem:$0x3FB1]  }
0x31: {  	[smem:$0x3FBA] =	sst s10  }
0x32: {  	s10 =	sld [smem:$0x3FB8];
	_ =	sdelay $0x3  }
0x33: {  	p0 =	seq.s32 s10, $0x1;
	s10 =	sld [smem:$0x3FBA];
	_ =	sdelay $0x3  }
0x34: {  	[smem:$0x3FBA] =	sst s10  }
0x35: {  	s10 =	sld [smem:$0x3FB9];
	_ =	sdelay $0x3  }
0x36: {  	p1 =	seq.s32 s10, $0x1;
	s10 =	sld [smem:$0x3FBA];
	_ =	sdelay $0x3  }
0x37: {  	[smem:$0x3FBA] =	sst s10  }
0x38: {  	s10 =	sld [smem:$0x3FBB]  }
0x39: {  	_ = 	snop;
	(pc) =	sbr.ind lr, $3  }
0x3a: {  	_ = 	snop  }
0x3b: {  	_ = 	snop  }
0x3c: {  	p2 =	seq.s32 s10, $0x1;
	s10 =	sld [smem:$0x3FBA]  }
0x3d: {  	_ =	shalt  }
0x3e: {  	_ =	shalt  }
0x3f: {  	_ =	shalt  }
0x40: {  	_ =	shalt  }
0x41: {  	_ =	shalt  }
0x42: {  	_ =	shalt  }
0x43: {  	_ =	shalt  }
0x44: {  	_ =	shalt  }
0x45: {  	_ =	shalt  }
0x46: {  	_ =	shalt  }
0x47: {  	_ =	shalt  }
0x48: {  	_ =	shalt  }
0x49: {  	_ =	shalt  }
0x4a: {  	_ =	shalt  }
0x4b: {  	_ =	shalt  }
0x4c: {  	_ =	shalt  }
0x4d: {  	_ =	shalt  }
0x4e: {  	_ =	shalt  }
0x4f: {  	_ =	shalt  }
0x50: {  	_ =	shalt  }
0x51: {  	_ =	shalt  }
0x52: {  	_ =	shalt  }
0x53: {  	_ =	shalt  }
0x54: {  	_ =	shalt  }
0x55: {  	_ =	shalt  }
0x56: {  	_ =	shalt  }
0x57: {  	_ =	shalt  }
0x58: {  	_ =	shalt  }
0x59: {  	_ =	shalt  }
0x5a: {  	_ =	shalt  }
0x5b: {  	_ =	shalt  }
0x5c: {  	_ =	shalt  }
0x5d: {  	_ =	shalt  }
0x5e: {  	_ =	shalt  }
0x5f: {  	_ =	shalt  }
0x60: {  	_ =	shalt  }
0x61: {  	_ =	shalt  }
0x62: {  	_ =	shalt  }
0x63: {  	_ =	shalt  }
0x64: {  	_ =	shalt  }
0x65: {  	_ =	shalt  }
0x66: {  	_ =	shalt  }
0x67: {  	_ =	shalt  }
0x68: {  	_ =	shalt  }
0x69: {  	_ =	shalt  }
0x6a: {  	_ =	shalt  }
0x6b: {  	_ =	shalt  }
0x6c: {  	_ =	shalt  }
0x6d: {  	_ =	shalt  }
0x6e: {  	_ =	shalt  }
0x6f: {  	_ =	shalt  }
0x70: {  	_ =	shalt  }
0x71: {  	_ =	shalt  }
0x72: {  	_ =	shalt  }
0x73: {  	_ =	shalt  }
0x74: {  	_ =	shalt  }
0x75: {  	_ =	shalt  }
0x76: {  	_ =	shalt  }
0x77: {  	_ =	shalt  }
0x78: {  	_ =	shalt  }
0x79: {  	_ =	shalt  }
0x7a: {  	_ =	shalt  }
0x7b: {  	_ =	shalt  }
0x7c: {  	_ =	shalt  }
0x7d: {  	_ =	shalt  }
0x7e: {  	_ =	shalt  }
0x7f: {  	_ =	shalt  }
0x80: {  	_ =	shalt  }
0x81: {  	_ =	shalt  }
0x82: {  	_ =	shalt  }
0x83: {  	_ =	shalt  }
0x84: {  	_ =	shalt  }
0x85: {  	_ =	shalt  }
0x86: {  	_ =	shalt  }
0x87: {  	_ =	shalt  }
.Lfunc_end0:
.L_simem_size_0:
called_computation_lowered:
.L_overlay_start_0:
0x88: {  	s2 =	sld [smem:$0x3FD9]  }
0x89: {  	s3 =	sld [smem:$0x3FFE];
	_ =	sdelay $0x1  }
0x8a: {  	s1 =	srdreg.scid  }
0x8b: {  	s0 =	sand.u32 $0x1, s1  }
0x8c: {  	s18 =	sshll.u32 s0, $0xA;
	s2 =	sadd.s32 s3, s2  }
0x8d: {  	s2 =	sadd.s32 s2, s18  }
0x8e: {  	[smem:$0x3FC6] =	sst s2  }
0x8f: {  	_ = 	snop  }
0x90: {  	s2 =	sld [smem:$0x3FC9]  }
0x91: {  	s19 =	sld [smem:$0x3FC8]  }
0x92: {  	s4 =	sld [smem:$0x3FD0];
	(tm) =	ssettm $0x1  }
0x93: {  	s5 =	sld [smem:$0x3FFB];
	_ =	sdelay $0x3  }
0x94: {  	_ =	strace s5  }
0x95: {  	s5 =	sld [smem:$0x3FFC];
	_ =	sdelay $0x3  }
0x96: {  	_ =	strace s5  }
0x97: {  	s5 =	sld [smem:$0x3FFD];
	_ =	sdelay $0x3  }
0x98: {  	_ =	strace s5  }
0x99: {  	_ =	strace $0x8FFFFFFF  }
0x9a: {  	s20 =	sld [smem:$0x3FDB];
	_ =	sdelay $0x1  }
0x9b: {  	s6 =	simm.s32 $_scs_section_size  }
0x9c: {  	s7 =	simm.s32 $_size__tile_overlayer_lowered;
	s8 =	simm.s32 $_tile_overlayer_lowered  }
0x9d: {  	s23 =	simm.s32 $0x1BFF;
	s22 =	sshll.u32 s8, $0x1;
	s5 =	sadd.s32 s6, s20  }
0x9e: {  	s9 =	simm.s32 $0x0;
	s21 =	sshll.u32 s7, $0x1;
	s7 =	sadd.s32 s22, s5  }
0x9f: {  	[timem:s9], [sflag:s23] =	dma.local [hbm:s7], s21  }
0xa0: {  	_ =	swait.ge [sflag:s23], s21  }
0xa1: {  	s6 =	ssub.s32 $0x0, s21;
	[sflag:s23] =	ssyncset.done $0x0  }
0xa2: {  	[sflag:s23] =	ssyncadd.s32 s6;
	_ =	sdelay $0x1  }
0xa3: {  	s24 =	simm.s32 $0x1B8B  }
0xa4: {  	_ =	swait.ge [sflag:s24], $0x1  }
0xa5: {  	[sflag:s24] =	ssyncset.done $0x0  }
0xa6: {  	s25 =	simm.s32 $0x1B8E;
	[sflag:s24] =	ssyncadd.s32 $0xFFFFFFFF  }
0xa7: {  	s26 =	simm.s32 $execute0_lowered;
	[smem:$0x3FD2] =	sst s25  }
0xa8: {  	s6 =	sshll.u32 s26, $0x1;
	_ =	strace $0x80000046;
	[dreg:$0x1] =	wrdreg $0xFFFFFFFF  }
0xa9: {  	s28 =	simm.s32 $_size_execute0_lowered;
	s5 =	sadd.s32 s5, s6;
	[dreg:$0x0] =	wrdreg $0x0  }
0xaa: {  	s6 =	sshll.u32 s28, $0x1;
	[dreg:$0x2] =	wrdreg s5  }
0xab: {  	[dreg:$0x3] =	wrdreg s6  }
0xac: {  	[dreg:$0x4] =	wrdreg $0xC0  }
0xad: {  	_ =	task [dreg:s9], $0x5FFFF  }
0xae: {  	[dreg:$0x1] =	wrdreg $0xFFFFFFFF  }
0xaf: {  	[dreg:$0x0] =	wrdreg $0x60  }
0xb0: {  	[dreg:$0x2] =	wrdreg s2  }
0xb1: {  	[dreg:$0x3] =	wrdreg s19  }
0xb2: {  	[dreg:$0x4] =	wrdreg s4  }
0xb3: {  	[dreg:$0x5] =	wrdreg $0x9  }
0xb4: {  	_ =	task.clear_ibuf [dreg:s9], $0x6FFFF;
	_ =	strace $0x90000046  }
0xb5: {  	s29 =	simm.s32 $0x9;
	_ =	strace $0x80000048  }
0xb6: {  	_ =	swait.ge [sflag:s29], $0x1  }
0xb7: {  	[sflag:s29] =	ssyncadd.s32 $0xFFFFFFFF  }
0xb8: {  	_ =	strace $0x90000048  }
0xb9: {  	_ =	sfence  }
0xba: {  	s30 =	sld [smem:$0x0];
	_ =	sdelay $0x2  }
0xbb: {  	s31 =	sshll.u32 s1, $0xD;
	s1 =	sshrl.u32 s1, $0x2  }
0xbc: {  	s3 =	sand.u32 $0x4000, s31;
	s1 =	sadd.s32 s1, s30  }
0xbd: {  	s0 =	sor.u32 s3, s0;
	s1 =	sshll.u32 s1, $0x11  }
0xbe: {  	s0 =	sor.u32 s1, s0  }
0xbf: {  	s0 =	sadd.s32 $0x8F2B, s0  }
0xc0: {  	[sflag:s0] =	ssyncadd.remote.s32 $0x1  }
0xc1: {  	_ =	sfence.sel $0xFFFF  }
0xc2: {  	[dreg:$0x0] =	wrdreg $0xFFFFFFFF;
	(pc) =	sbr.abs _section_cstart, $3  }
0xc3: {  	[dreg:$0x1] =	wrdreg $0xFFFFFFFF  }
0xc4: {  	_ =	task.clear_ibuf [dreg:s9], $0x2FFFF;
	_ =	strace $0x9FFFFFFF  }
0xc5: {  	(tm) =	ssettm $0x7FFFFFFF  }
tec
execute0_lowered:
.L_overlay_start_1:
0x0: {  	(tag) =	ssettag $0x1  }
0x1: {  	s1 =	rddreg [dreg:$0x0]  }
0x2: {  	s0 =	rddreg [dreg:$0x1]  }
0x3: {  	s3 =	rddreg [dreg:$0x2];
	s2 =	simm.s32 $0x0  }
0x4: {  	s4 =	srdreg.scid;
	s10 =	stileid.u32;
	s13 =	simm.s32 $0x80  }
0x5: {  	s14 =	simm.s32 $0x1000;
	s15 =	simm.s32 $0x5000;
	s17 =	simm.s32 $0x9000  }
0x6: {  	s19 =	simm.s32 $0xD000;
	s20 =	simm.s32 $0x11000;
	s28 =	simm.s32 $0x4  }
0x7: {  	s29 =	simm.s32 $0x8;
	s30 =	simm.s32 $0x5;
	s31 =	simm.s32 $0x6  }
0x8: {  	s11 =	simm.s32 $0x0;
	[smem:$0x7FF] =	sst s2;
	s5 =	sand.u32 $0x1, s4  }
0x9: {  	s7 =	sshll.u32 s10, $0x8;
	s22 =	sshll.u32 s10, $0xF;
	s25 =	sshll.u32 s10, $0xC  }
0xa: {  	s10 =	simm.s32 $0xC;
	_ =	strace $0x80000047;
	s4 =	ssub.s32 $0x2, s5  }
0xb: {  	s8 =	sshll.u32 s5, $0x7;
	s9 =	sshll.u32 s5, $0xE;
	s5 =	sshll.u32 s5, $0xB  }
0xc: {  	s6 =	sshrl.u32 s4, $0x1;
	s7 =	sor.u32 s8, s7;
	s24 =	sor.u32 s9, s22  }
0xd: {  	s22 =	simm.s32 $0x15000;
	s9 =	simm.s32 $0xB;
	s6 =	ssub.s32 s4, s6  }
0xe: {  	s23 =	sadd.s32 s0, s7;
	s0 =	sshrl.u32 s24, $0x3;
	s7 =	sadd.s32 s25, s3  }
.Ltmp0:
0xf: {  	s24 =	simm.s32 $0x2;
	s25 =	simm.s32 $0x3;
	(pc) =	sbr.rel .LBB2_1-.Ltmp0, $4  }
0x10: {  	[dreg:$0x4] =	wrdreg s23;
	s4 =	sadd.s32 $0x3000, s23;
	s0 =	sadd.s32 s0, s3  }
0x11: {  	s26 =	smax.u32 s6, $0x1;
	s7 =	sadd.s32 s5, s7;
	[dreg:$0x5] =	wrdreg s4  }
0x12: {  	s23 =	simm.s32 $0x1;
	s3 =	simm.s32 $0xA;
	[dreg:$0x6] =	wrdreg s26  }
0x13: {  	s8 =	sadd.s32 $0x10000, s0;
	s26 =	simm.s32 $0x7;
	s0 =	simm.s32 $0x9  }
.LBB2_6:
0x14: {  	_ =	swait.ge [sflag:s26], $0x4000  }
0x15: {  	[sflag:s26] =	ssyncset.done $0x0  }
0x16: {  	[sflag:s26] =	ssyncadd.s32 $0xFFFFC000  }
0x17: {  	_ =	swait.ge [sflag:s29], $0x4000  }
0x18: {  	[sflag:s29] =	ssyncset.done $0x0  }
0x19: {  	[sflag:s29] =	ssyncadd.s32 $0xFFFFC000  }
0x1a: {  	_ =	swait.ge [sflag:s0], $0x4000  }
0x1b: {  	[sflag:s0] =	ssyncset.done $0x0  }
0x1c: {  	[sflag:s0] =	ssyncadd.s32 $0xFFFFC000  }
0x1d: {  	_ =	swait.ge [sflag:s3], $0x4000  }
0x1e: {  	[sflag:s3] =	ssyncset.done $0x0  }
0x1f: {  	[sflag:s3] =	ssyncadd.s32 $0xFFFFC000  }
0x20: {  	_ =	swait.ge [sflag:s9], $0x4000  }
0x21: {  	[sflag:s9] =	ssyncset.done $0x0  }
0x22: {  	[sflag:s9] =	ssyncadd.s32 $0xFFFFC000  }
0x23: {  	_ =	swait.ge [sflag:s10], $0x4000  }
0x24: {  	s11 =	sadd.s32 $0x1, s11;
	s4 =	rddreg [dreg:$0x6]  }
0x25: {  	p0 =	sne.s32 s11, s4  }
.Ltmp1:
0x26: {  	_ = 	snop;
	(pc) =	sbr.rel @!p0 .LBB2_7-.Ltmp1, $3  }
0x27: {  	_ =	sdelay $0x1  }
0x28: {  	[sflag:s10] =	ssyncset.done $0x0  }
0x29: {  	[sflag:s10] =	ssyncadd.s32 $0xFFFFC000  }
.LBB2_1:
0x2a: {  	s4 =	rddreg [dreg:$0x4];
	s5 =	simm.s32 $0x400;
	s6 =	simm.s32 $0x8000  }
0x2b: {  	[tilespmem:s2], [sflag:$0xD] =	stream.strided.gather [hbm4b:s4+s5], $0xC00, s6, s5, $0x38;
	[tilespmem:$0x19000] =	vst v63  }
0x2c: {  	s12 =	simm.s32 $0xD;
	s5 =	rddreg [dreg:$0x5];
	s6 =	simm.s32 $0xC00  }
0x2d: {  	[tilespmem:s6], [sflag:$0xD] =	stream.linear.gather [hbm4b:s5+s2], $0x100, $0x38;
	[tilespmem:$0x19000] =	vst v63  }
0x2e: {  	_ =	swait.ge [sflag:s12], $0xD00  }
0x2f: {  	[sflag:s12] =	ssyncset.done $0x0  }
0x30: {  	[sflag:s12] =	ssyncadd.s32 $0xFFFFF300  }
0x31: {  	[tilespmem:s14], [sflag:$0x1] =	stream.indirect.gather [hbm4b:s1+s13], $0x80, s2, s13, $0xb8;
	[tilespmem:$0x19000] =	vst v63  }
0x32: {  	_ = 	snop  }
0x33: {  	[tilespmem:s15], [sflag:$0x2] =	stream.indirect.gather [hbm4b:s1+s13], $0x80, s13, s13, $0xb8;
	[tilespmem:$0x19000] =	vst v63  }
0x34: {  	s16 =	simm.s32 $0x100  }
0x35: {  	[tilespmem:s17], [sflag:$0x3] =	stream.indirect.gather [hbm4b:s1+s13], $0x80, s16, s13, $0xb8;
	[tilespmem:$0x19000] =	vst v63  }
0x36: {  	s18 =	simm.s32 $0x180  }
0x37: {  	[tilespmem:s19], [sflag:$0x4] =	stream.indirect.gather [hbm4b:s1+s13], $0x80, s18, s13, $0xb8;
	[tilespmem:$0x19000] =	vst v63  }
.Ltmp2:
0x38: {  	s16 =	simm.s32 $0x200;
	(pc) =	sbr.rel .LBB2_2-.Ltmp2, $4  }
0x39: {  	[tilespmem:s20], [sflag:$0x5] =	stream.indirect.gather [hbm4b:s1+s13], $0x80, s16, s13, $0xb8;
	[tilespmem:$0x19000] =	vst v63  }
0x3a: {  	s21 =	simm.s32 $0x280  }
0x3b: {  	[tilespmem:s22], [sflag:$0x6] =	stream.indirect.gather [hbm4b:s1+s13], $0x80, s21, s13, $0xb8;
	[tilespmem:$0x19000] =	vst v63  }
0x3c: {  	s18 =	simm.s32 $0x0;
	s21 =	simm.s32 $0x0  }
.LBB2_5:
0x3d: {  	_ =	swait.ge [sflag:s25], $0x4000  }
0x3e: {  	[sflag:s25] =	ssyncset.done $0x0  }
0x3f: {  	s4 =	sadd.s32 $0x20000, s5;
	[sflag:s25] =	ssyncadd.s32 $0xFFFFC000  }
0x40: {  	[hbm4b:s4+s2] =	stream.linear.scatter [tilespmem:s17], [sflag:$0x9], $0x4000, $0x38;
	[tilespmem:$0x19000] =	vst v63  }
0x41: {  	_ =	swait.ge [sflag:s26], $0x4000  }
0x42: {  	[sflag:s26] =	ssyncset.done $0x0  }
0x43: {  	s12 =	sadd.s32 $0x100, s16;
	[sflag:s26] =	ssyncadd.s32 $0xFFFFC000  }
0x44: {  	[tilespmem:s14], [sflag:$0x1] =	stream.indirect.gather [hbm4b:s1+s13], $0x80, s12, s13, $0xb8;
	[tilespmem:$0x19000] =	vst v63  }
0x45: {  	_ =	swait.ge [sflag:s28], $0x4000  }
0x46: {  	[sflag:s28] =	ssyncset.done $0x0  }
0x47: {  	s6 =	sadd.s32 $0x30000, s5;
	[sflag:s28] =	ssyncadd.s32 $0xFFFFC000  }
0x48: {  	[hbm4b:s6+s2] =	stream.linear.scatter [tilespmem:s19], [sflag:$0xA], $0x4000, $0x38;
	[tilespmem:$0x19000] =	vst v63  }
0x49: {  	_ =	swait.ge [sflag:s29], $0x4000  }
0x4a: {  	[sflag:s29] =	ssyncset.done $0x0  }
0x4b: {  	s12 =	sadd.s32 $0x180, s16;
	[sflag:s29] =	ssyncadd.s32 $0xFFFFC000  }
0x4c: {  	[tilespmem:s15], [sflag:$0x2] =	stream.indirect.gather [hbm4b:s1+s13], $0x80, s12, s13, $0xb8;
	[tilespmem:$0x19000] =	vst v63  }
0x4d: {  	_ =	swait.ge [sflag:s30], $0x4000  }
0x4e: {  	p0 =	sgt.u32 s21, $0x2;
	[sflag:s30] =	ssyncset.done $0x0  }
0x4f: {  	s4 =	simm.s32 @!p0 $0x9;
	s6 =	sadd.s32 $0x40000, s5;
	[sflag:s30] =	ssyncadd.s32 $0xFFFFC000  }
0x50: {  	[hbm4b:s6+s2] =	stream.linear.scatter [tilespmem:s20], [sflag:$0xB], $0x4000, $0x38;
	[tilespmem:$0x19000] =	vst v63  }
0x51: {  	_ =	swait.ge @!p0 [sflag:s4], $0x4000  }
0x52: {  	s18 =	sadd.s32 $0x60000, s18;
	s12 =	simm.s32 @!p0 $0x9000;
	[sflag:s4] =	ssyncset.done @!p0 $0x0  }
0x53: {  	s6 =	simm.s32 @!p0 $0x80;
	[sflag:s4] =	ssyncadd.s32 @!p0 $0xFFFFC000;
	s4 =	sadd.s32 @!p0 $0x200, s16  }
0x54: {  	[tilespmem:s12], [sflag:$0x3] =	stream.indirect.gather @!p0 [hbm4b:s1+s6], $0x80, s4, s6, $0xb8;
	[tilespmem:$0x19000] =	vst v63  }
0x55: {  	p0 =	sne.s32 s18, $0x1E0000  }
.Ltmp3:
0x56: {  	_ = 	snop;
	(pc) =	sbr.rel @!p0 .LBB2_6-.Ltmp3, $4  }
0x57: {  	_ =	swait.ge [sflag:s31], $0x4000  }
0x58: {  	s21 =	sadd.s32 $0x1, s21;
	[sflag:s31] =	ssyncset.done $0x0  }
0x59: {  	s16 =	sadd.s32 $0x300, s16;
	s12 =	sadd.s32 $0x50000, s5;
	[sflag:s31] =	ssyncadd.s32 $0xFFFFC000  }
0x5a: {  	[hbm4b:s12+s2] =	stream.linear.scatter [tilespmem:s22], [sflag:$0xC], $0x4000, $0x38;
	[tilespmem:$0x19000] =	vst v63  }
.LBB2_2:
0x5b: {  	s5 =	sor.u32 $0x4, s21  }
0x5c: {  	p0 =	seq.s32 s5, $0x4  }
0x5d: {  	s5 =	simm.s32 @!p0 $0xA  }
0x5e: {  	_ =	swait.ge @!p0 [sflag:s5], $0x4000  }
0x5f: {  	s4 =	simm.s32 @!p0 $0x80;
	[sflag:s5] =	ssyncset.done @!p0 $0x0  }
0x60: {  	s6 =	simm.s32 @!p0 $0xD000;
	[sflag:s5] =	ssyncadd.s32 @!p0 $0xFFFFC000;
	s5 =	sadd.s32 @!p0 $0xFFFFFF80, s16  }
0x61: {  	[tilespmem:s6], [sflag:$0x4] =	stream.indirect.gather @!p0 [hbm4b:s1+s4], $0x80, s5, s4, $0xb8;
	[tilespmem:$0x19000] =	vst v63  }
0x62: {  	_ =	swait.ge [sflag:s23], $0x4000  }
0x63: {  	[sflag:s23] =	ssyncset.done $0x0  }
0x64: {  	s5 =	sadd.s32 s18, s7;
	s6 =	simm.s32 @!p0 $0xB;
	[sflag:s23] =	ssyncadd.s32 $0xFFFFC000  }
0x65: {  	[hbm4b:s5+s2] =	stream.linear.scatter [tilespmem:s14], [sflag:$0x7], $0x4000, $0x38;
	[tilespmem:$0x19000] =	vst v63  }
0x66: {  	_ =	swait.ge @!p0 [sflag:s6], $0x4000  }
0x67: {  	[sflag:s6] =	ssyncset.done @!p0 $0x0  }
0x68: {  	[sflag:s6] =	ssyncadd.s32 @!p0 $0xFFFFC000;
	s6 =	simm.s32 @!p0 $0x11000  }
0x69: {  	[tilespmem:s6], [sflag:$0x5] =	stream.indirect.gather @!p0 [hbm4b:s1+s4], $0x80, s16, s4, $0xb8;
	[tilespmem:$0x19000] =	vst v63  }
0x6a: {  	p0 =	seq.s32 s21, $0x0  }
.Ltmp4:
0x6b: {  	_ = 	snop;
	(pc) =	sbr.rel @p0 .LBB2_5-.Ltmp4, $4  }
0x6c: {  	_ =	swait.ge [sflag:s24], $0x4000  }
0x6d: {  	[sflag:s24] =	ssyncset.done $0x0  }
0x6e: {  	s12 =	sadd.s32 s18, s8;
	[sflag:s24] =	ssyncadd.s32 $0xFFFFC000  }
0x6f: {  	[hbm4b:s12+s2] =	stream.linear.scatter [tilespmem:s15], [sflag:$0x8], $0x4000, $0x38;
	[tilespmem:$0x19000] =	vst v63  }
0x70: {  	p0 =	seq.s32 s21, $0x4  }
.Ltmp5:
0x71: {  	_ = 	snop;
	(pc) =	sbr.rel @p0 .LBB2_6-.Ltmp5, $1  }
0x72: {  	_ =	sdelay $0x3  }
.Ltmp6:
0x73: {  	(pc) =	sbr.rel .LBB2_5-.Ltmp6, $4  }
0x74: {  	_ =	swait.ge [sflag:s10], $0x4000  }
0x75: {  	[sflag:s10] =	ssyncset.done $0x0  }
0x76: {  	s4 =	sadd.s32 $0x80, s16;
	[sflag:s10] =	ssyncadd.s32 $0xFFFFC000  }
0x77: {  	[tilespmem:s22], [sflag:$0x6] =	stream.indirect.gather [hbm4b:s1+s13], $0x80, s4, s13, $0xb8;
	[tilespmem:$0x19000] =	vst v63  }
.LBB2_7:
0x78: {  	_ =	sfence.sel $0x180000  }
0x79: {  	[bflag:$0x0] =	sbarrier.arrive $0xFFFF  }
0x7a: {  	_ =	strace $0x90000047  }
0x7b: {  	s0 =	stileid.u32;
	[bflag:$0x2] =	sbarrier.arrive $0xFFFF  }
0x7c: {  	p0 =	sne.s32 s0, $0x0;
	s0 =	rddreg [dreg:$0x3]  }
0x7d: {  	s0 =	sadd.s32 @!p0 $0x100000, s0  }
0x7e: {  	[sflag:s0] =	ssyncadd.tile.s32 @!p0 $0x1;
	_ =	shalt  }
.Lfunc_end2:
_tile_overlayer_lowered:
.L_overlay_start_2:
0x7f: {  	(tag) =	ssettag $0x2  }
0x80: {  	s0 =	rddreg [dreg:$0x0];
	s2 =	stileid.u32  }
0x81: {  	s1 =	rddreg [dreg:$0x1];
	p0 =	sne.s32 s2, $0x0  }
0x82: {  	s3 =	rddreg [dreg:$0x2];
	[bflag:$0x3] =	sbarrier.arrive $0xFFFF;
	s2 =	simm.s32 @!p0 $0x1C0D  }
0x83: {  	[timem:s3], [sflag:s2] =	dma.local @!p0 [hbm:s0], s1  }
0x84: {  	s0 =	simm.s32 @!p0 $0xD  }
0x85: {  	_ =	swait.ge @!p0 [sflag:s0], s1  }
0x86: {  	s1 =	ssub.s32 @!p0 $0x0, s1;
	[sflag:s0] =	ssyncset.done @!p0 $0x0  }
0x87: {  	[sflag:s0] =	ssyncadd.s32 @!p0 s1  }
0x88: {  	[bflag:$0x3] =	sbarrier.arrive $0xFFFF  }
0x89: {  	_ =	shalt  }

</sc_bundles>
